<compile_context>
chip_gen: v7x
topology: tpu7x:2x2x1
jax: 0.10.2.dev20260603
libtpu: 0.0.44.dev20260713+nightly
codegen_flags: <defaults>
</compile_context>

<pallas_src>
import functools

import jax
import jax.numpy as jnp
from jax import lax
from jax.experimental import pallas as pl
import jax.experimental.pallas.tpu as pltpu
from jax.experimental.pallas import tpu_sc as plsc

_BATCH = 4096
_N = 100000
_D = 128
_TEMP = 0.05
_NT = 2048
_LOG2E = 1.4426950408889634

_SC_NC = 2
_SC_NS = 16
_SC_NW = _SC_NC * _SC_NS
_B_PER_W = _BATCH // _SC_NW


def _norm_kernel(x_ref, xs_ref):
    x = x_ref[...]
    nrm = jnp.sqrt(jnp.sum(x * x, axis=1, keepdims=True))
    scale = _LOG2E / (jnp.maximum(nrm, 1e-12) * _TEMP)
    xs_ref[...] = (x * scale).astype(jnp.float8_e4m3fn)


def _sum_kernel(xs_ref, f_ref, s_ref):
    i = pl.program_id(0)

    @pl.when(i == 0)
    def _init():
        s_ref[...] = jnp.zeros_like(s_ref)

    row = i * _NT + lax.broadcasted_iota(jnp.int32, (_NT, 1), 0)
    ft = jnp.where(row < _N, f_ref[...], 0.0).astype(jnp.float8_e4m3fn)

    l2 = lax.dot_general(
        xs_ref[...], ft,
        (((1,), (1,)), ((), ())),
        preferred_element_type=jnp.float32,
    )
    e = jnp.exp2(l2.astype(jnp.bfloat16))
    parts = [e[:, k * 128:(k + 1) * 128] for k in range(_NT // 128)]
    while len(parts) > 1:
        parts = [parts[j] + parts[j + 1] for j in range(0, len(parts), 2)]
    s_ref[...] += parts[0].astype(jnp.float32)


def _sc_gather_body(table_hbm, idx_hbm, out_hbm, idx_v, rows_v, sem):
    wid = lax.axis_index("s") * _SC_NC + lax.axis_index("c")
    base = wid * _B_PER_W
    pltpu.sync_copy(idx_hbm.at[pl.ds(base, _B_PER_W)], idx_v)
    pltpu.async_copy(table_hbm.at[idx_v], rows_v, sem).wait()
    pltpu.sync_copy(rows_v, out_hbm.at[pl.ds(base, _B_PER_W)])


def _fin_kernel(x_ref, g_ref, s_ref, out_ref):
    n_pad_rows = pl.cdiv(_N, _NT) * _NT - _N
    x = x_ref[...]
    nrm = jnp.sqrt(jnp.sum(x * x, axis=1, keepdims=True))
    t = jnp.sum(x * g_ref[...], axis=1, keepdims=True) / (
        jnp.maximum(nrm, 1e-12) * _TEMP)
    s = jnp.sum(s_ref[...], axis=1, keepdims=True) - float(n_pad_rows)
    out_ref[...] = jnp.sum(jnp.log(s) - t, axis=0, keepdims=True)


@functools.partial(jax.jit, static_argnames=())
def kernel(inputs, targets, features):
    tgt = targets.astype(jnp.int32)

    xs = pl.pallas_call(
        _norm_kernel,
        out_shape=jax.ShapeDtypeStruct((_BATCH, _D), jnp.float8_e4m3fn),
    )(inputs)

    s128 = pl.pallas_call(
        _sum_kernel,
        grid=(pl.cdiv(_N, _NT),),
        in_specs=[
            pl.BlockSpec((_BATCH, _D), lambda i: (0, 0)),
            pl.BlockSpec((_NT, _D), lambda i: (i, 0)),
        ],
        out_specs=pl.BlockSpec((_BATCH, _D), lambda i: (0, 0)),
        out_shape=jax.ShapeDtypeStruct((_BATCH, _D), jnp.float32),
    )(xs, features)

    gathered = pl.kernel(
        _sc_gather_body,
        out_type=jax.ShapeDtypeStruct((_BATCH, _D), jnp.float32),
        mesh=plsc.VectorSubcoreMesh(core_axis_name="c", subcore_axis_name="s"),
        scratch_types=[
            pltpu.VMEM((_B_PER_W,), jnp.int32),
            pltpu.VMEM((_B_PER_W, _D), jnp.float32),
            pltpu.SemaphoreType.DMA,
        ],
    )(features, tgt)

    out = pl.pallas_call(
        _fin_kernel,
        out_shape=jax.ShapeDtypeStruct((1, 1), jnp.float32),
    )(inputs, gathered, s128)
    return out[0, 0] / _BATCH

# --- scband reference (transcript-rebuilt; emitter-appended) ---
"""Pipeline reference for scband-cluster-memory-30408368456272 (READ-ONLY COPY).

The authoritative reference and input builder live on the scoring server;
editing this copy changes nothing except your own understanding.
"""

import jax, jax.numpy as jnp
import numpy as np

BATCH = 4096
NUM_SAMPLES = 100000
NUM_FEATURES = 128
TEMP = 0.05


def setup_inputs(seed: int = 0) -> dict:
    key = jax.random.key(seed)
    k1, k2, k3 = jax.random.split(key, 3)
    inputs = jax.random.normal(k1, (BATCH, NUM_FEATURES), dtype=jnp.float32)
    targets = jax.random.randint(k2, (BATCH,), 0, NUM_SAMPLES, dtype=jnp.int64 if jax.config.jax_enable_x64 else jnp.int32)
    # cluster memory bank (registered buffer); initialized as L2-normalized centroids
    features = jax.random.normal(k3, (NUM_SAMPLES, NUM_FEATURES), dtype=jnp.float32)
    features = features / jnp.clip(jnp.linalg.norm(features, axis=1, keepdims=True), 1e-12)
    return {"inputs": inputs, "targets": targets, "features": features}


def reference(inputs, targets, features):
    # F.normalize(inputs, dim=1)
    x = inputs / jnp.clip(jnp.linalg.norm(inputs, axis=1, keepdims=True), 1e-12)
    # CM.forward: outputs = inputs.mm(features.t())
    logits = x @ features.T
    logits = logits / TEMP
    # nn.CrossEntropyLoss() with mean reduction
    logz = jax.scipy.special.logsumexp(logits, axis=1)
    tgt_logit = jnp.take_along_axis(logits, targets[:, None].astype(jnp.int32), axis=1)[:, 0]
    loss = jnp.mean(logz - tgt_logit)
    return loss

if __name__ == "__main__":
    import jax
    _d = setup_inputs()
    print(jax.jit(kernel)(*tuple(_d.values())))

</pallas_src>

<mosaic_0001>
#map = affine_map<(d0, d1) -> (0, 0)>
#map1 = affine_map<(d0, d1) -> (0)>
module attributes {stable_mosaic.version = 14 : i64} {
  func.func @_sc_gather_body(%arg0: i32, %arg1: i32, %arg2: memref<100000x128xf32, #tpu.memory_space<hbm>>, %arg3: memref<4096xi32, #tpu.memory_space<hbm>>, %arg4: memref<4096x128xf32, #tpu.memory_space<hbm>>, %arg5: memref<128xi32, #tpu.memory_space<vmem>>, %arg6: memref<128x128xf32, #tpu.memory_space<vmem>>, %arg7: memref<!tpu.dma_semaphore, #tpu.memory_space<semaphore_mem>>) attributes {dimension_semantics = [#tpu.dimension_semantics<core_parallel>, #tpu.dimension_semantics<subcore_parallel>], iteration_bounds = array<i64: 2, 16>, scalar_prefetch = 0 : i64, scratch_operands = 3 : i64, tpu.core_type = #tpu.core_type<sc_vector_subcore>, window_params = [{transform_indices = #map}, {transform_indices = #map1}, {transform_indices = #map}]} {
    %mul3A = arith.constant 2 : i32
    %mul3A_0 = arith.muli %arg1, %mul3A : i32
    %add3A = arith.addi %mul3A_0, %arg0 : i32
    %mul3A_1 = arith.constant 128 : i32
    %mul3A_2 = arith.muli %add3A, %mul3A_1 : i32
    "tpu.region"() ({
      %run_scoped3A = tpu.sem_alloc : memref<!tpu.dma_semaphore, #tpu.memory_space<semaphore_mem>>
      %dma_start3A_7 = tpu.memref_slice %arg3[%mul3A_2] : memref<4096xi32, #tpu.memory_space<hbm>> -> memref<128xi32, #tpu.memory_space<hbm>>
      %dma_start3A_8 = tpu.memref_slice %arg3[%mul3A_2] : memref<4096xi32, #tpu.memory_space<hbm>> -> memref<128xi32, #tpu.memory_space<hbm>>
      tpu.enqueue_dma source(%dma_start3A_8 : memref<128xi32, #tpu.memory_space<hbm>>) target(%arg5 : memref<128xi32, #tpu.memory_space<vmem>>) target_semaphore(%run_scoped3A : memref<!tpu.dma_semaphore, #tpu.memory_space<semaphore_mem>>)
      %dma_wait3A_9 = tpu.memref_slice %arg3[%mul3A_2] : memref<4096xi32, #tpu.memory_space<hbm>> -> memref<128xi32, #tpu.memory_space<hbm>>
      %dma_wait3A_10 = tpu.memref_slice %arg3[%mul3A_2] : memref<4096xi32, #tpu.memory_space<hbm>> -> memref<128xi32, #tpu.memory_space<hbm>>
      tpu.wait_dma2 semaphore(%run_scoped3A : memref<!tpu.dma_semaphore, #tpu.memory_space<semaphore_mem>>) src(%dma_wait3A_10 : memref<128xi32, #tpu.memory_space<hbm>>) dst(%arg5 : memref<128xi32, #tpu.memory_space<vmem>>)
      tpu.yield
    }) : () -> ()
    %dma_start3A = arith.constant 0 : i32
    %dma_start3A_3 = arith.constant 0 : i32
    %dma_start3A_4 = tpu.memref_slice %arg2[%dma_start3A, %dma_start3A_3] : memref<100000x128xf32, #tpu.memory_space<hbm>> -> memref<100000x128xf32, #tpu.memory_space<hbm>>
    tpu.enqueue_indirect_dma source(%dma_start3A_4 : memref<100000x128xf32, #tpu.memory_space<hbm>>) target(%arg6 : memref<128x128xf32, #tpu.memory_space<vmem>>) offsets(%arg5 : memref<128xi32, #tpu.memory_space<vmem>>) semaphore(%arg7 : memref<!tpu.dma_semaphore, #tpu.memory_space<semaphore_mem>>)
    %dma_wait3A = arith.constant 0 : i32
    %dma_wait3A_5 = arith.constant 0 : i32
    %dma_wait3A_6 = tpu.memref_slice %arg2[%dma_wait3A, %dma_wait3A_5] : memref<100000x128xf32, #tpu.memory_space<hbm>> -> memref<100000x128xf32, #tpu.memory_space<hbm>>
    tpu.wait_indirect_dma semaphore(%arg7 : memref<!tpu.dma_semaphore, #tpu.memory_space<semaphore_mem>>) src(%dma_wait3A_6 : memref<100000x128xf32, #tpu.memory_space<hbm>>) dst(%arg6 : memref<128x128xf32, #tpu.memory_space<vmem>>)
    "tpu.region"() ({
      %run_scoped3A = tpu.sem_alloc : memref<!tpu.dma_semaphore, #tpu.memory_space<semaphore_mem>>
      %dma_start3A_7 = arith.constant 0 : i32
      %dma_start3A_8 = tpu.memref_slice %arg4[%mul3A_2, %dma_start3A_7] : memref<4096x128xf32, #tpu.memory_space<hbm>> -> memref<128x128xf32, #tpu.memory_space<hbm>>
      %dma_start3A_9 = arith.constant 0 : i32
      %dma_start3A_10 = tpu.memref_slice %arg4[%mul3A_2, %dma_start3A_9] : memref<4096x128xf32, #tpu.memory_space<hbm>> -> memref<128x128xf32, #tpu.memory_space<hbm>>
      tpu.enqueue_dma source(%arg6 : memref<128x128xf32, #tpu.memory_space<vmem>>) target(%dma_start3A_10 : memref<128x128xf32, #tpu.memory_space<hbm>>) target_semaphore(%run_scoped3A : memref<!tpu.dma_semaphore, #tpu.memory_space<semaphore_mem>>)
      %dma_wait3A_11 = arith.constant 0 : i32
      %dma_wait3A_12 = tpu.memref_slice %arg4[%mul3A_2, %dma_wait3A_11] : memref<4096x128xf32, #tpu.memory_space<hbm>> -> memref<128x128xf32, #tpu.memory_space<hbm>>
      %dma_wait3A_13 = arith.constant 0 : i32
      %dma_wait3A_14 = tpu.memref_slice %arg4[%mul3A_2, %dma_wait3A_13] : memref<4096x128xf32, #tpu.memory_space<hbm>> -> memref<128x128xf32, #tpu.memory_space<hbm>>
      tpu.wait_dma2 semaphore(%run_scoped3A : memref<!tpu.dma_semaphore, #tpu.memory_space<semaphore_mem>>) src(%arg6 : memref<128x128xf32, #tpu.memory_space<vmem>>) dst(%dma_wait3A_14 : memref<128x128xf32, #tpu.memory_space<hbm>>)
      tpu.yield
    }) : () -> ()
    return
  }
}

module attributes {stable_mosaic.version = 14 : i64} {
  func.func @_fin_kernel(%arg0: memref<4096x128xf32, #tpu.memory_space<vmem>>, %arg1: memref<4096x128xf32, #tpu.memory_space<vmem>>, %arg2: memref<4096x128xf32, #tpu.memory_space<vmem>>, %arg3: memref<1x1xf32, #tpu.memory_space<vmem>>) attributes {dimension_semantics = [], scalar_prefetch = 0 : i64, scratch_operands = 0 : i64, tpu.core_type = #tpu.core_type<tc>} {
    %get3A = arith.constant 0 : index
    %get3A_0 = arith.constant 0 : index
    %get3A_1 = vector.load %arg0[%get3A, %get3A_0] : memref<4096x128xf32, #tpu.memory_space<vmem>>, vector<4096x128xf32>
    %mul3A = arith.mulf %get3A_1, %get3A_1 : vector<4096x128xf32>
    %reduce_sum3A = arith.constant dense<0.000000e+00> : vector<4096xf32>
    %reduce_sum3A_2 = vector.multi_reduction <add>, %mul3A, %reduce_sum3A [1] : vector<4096x128xf32> to vector<4096xf32>
    %broadcast_in_dim3A = vector.shape_cast %reduce_sum3A_2 : vector<4096xf32> to vector<4096x1xf32>
    %sqrt3A = math.sqrt %broadcast_in_dim3A : vector<4096x1xf32>
    %get3A_3 = arith.constant 0 : index
    %get3A_4 = arith.constant 0 : index
    %get3A_5 = vector.load %arg1[%get3A_3, %get3A_4] : memref<4096x128xf32, #tpu.memory_space<vmem>>, vector<4096x128xf32>
    %mul3A_6 = arith.mulf %get3A_1, %get3A_5 : vector<4096x128xf32>
    %reduce_sum3A_7 = arith.constant dense<0.000000e+00> : vector<4096xf32>
    %reduce_sum3A_8 = vector.multi_reduction <add>, %mul3A_6, %reduce_sum3A_7 [1] : vector<4096x128xf32> to vector<4096xf32>
    %broadcast_in_dim3A_9 = vector.shape_cast %reduce_sum3A_8 : vector<4096xf32> to vector<4096x1xf32>
    %max3A = arith.constant 9.99999996E-13 : f32
    %max3A_10 = vector.broadcast %max3A : f32 to vector<4096x1xf32>
    %max3A_11 = arith.maximumf %sqrt3A, %max3A_10 : vector<4096x1xf32>
    %mul3A_12 = arith.constant 5.000000e-02 : f32
    %mul3A_13 = vector.broadcast %mul3A_12 : f32 to vector<4096x1xf32>
    %mul3A_14 = arith.mulf %max3A_11, %mul3A_13 : vector<4096x1xf32>
    %div3A = arith.divf %broadcast_in_dim3A_9, %mul3A_14 : vector<4096x1xf32>
    %get3A_15 = arith.constant 0 : index
    %get3A_16 = arith.constant 0 : index
    %get3A_17 = vector.load %arg2[%get3A_15, %get3A_16] : memref<4096x128xf32, #tpu.memory_space<vmem>>, vector<4096x128xf32>
    %reduce_sum3A_18 = arith.constant dense<0.000000e+00> : vector<4096xf32>
    %reduce_sum3A_19 = vector.multi_reduction <add>, %get3A_17, %reduce_sum3A_18 [1] : vector<4096x128xf32> to vector<4096xf32>
    %broadcast_in_dim3A_20 = vector.shape_cast %reduce_sum3A_19 : vector<4096xf32> to vector<4096x1xf32>
    %sub3A = arith.constant 3.520000e+02 : f32
    %sub3A_21 = vector.broadcast %sub3A : f32 to vector<4096x1xf32>
    %sub3A_22 = arith.subf %broadcast_in_dim3A_20, %sub3A_21 : vector<4096x1xf32>
    %log3A = math.log %sub3A_22 : vector<4096x1xf32>
    %sub3A_23 = arith.subf %log3A, %div3A : vector<4096x1xf32>
    %reduce_sum3A_24 = arith.constant dense<0.000000e+00> : vector<1xf32>
    %reduce_sum3A_25 = vector.multi_reduction <add>, %sub3A_23, %reduce_sum3A_24 [0] : vector<4096x1xf32> to vector<1xf32>
    %broadcast_in_dim3A_26 = vector.shape_cast %reduce_sum3A_25 : vector<1xf32> to vector<1x1xf32>
    %swap3A = arith.constant 0 : index
    %swap3A_27 = arith.constant 0 : index
    %swap3A_28 = vector.load %arg3[%swap3A, %swap3A_27] : memref<1x1xf32, #tpu.memory_space<vmem>>, vector<1x1xf32>
    tpu.vector_store %arg3[%swap3A, %swap3A_27], %broadcast_in_dim3A_26 {strides = array<i32>} : memref<1x1xf32, #tpu.memory_space<vmem>>, vector<1x1xf32>,
    return
  }
}

module attributes {stable_mosaic.version = 14 : i64} {
  func.func @_norm_kernel(%arg0: memref<4096x128xf32, #tpu.memory_space<vmem>>, %arg1: memref<4096x128xf8E4M3FN, #tpu.memory_space<vmem>>) attributes {dimension_semantics = [], scalar_prefetch = 0 : i64, scratch_operands = 0 : i64, tpu.core_type = #tpu.core_type<tc>} {
    %get3A = arith.constant 0 : index
    %get3A_0 = arith.constant 0 : index
    %get3A_1 = vector.load %arg0[%get3A, %get3A_0] : memref<4096x128xf32, #tpu.memory_space<vmem>>, vector<4096x128xf32>
    %mul3A = arith.mulf %get3A_1, %get3A_1 : vector<4096x128xf32>
    %reduce_sum3A = arith.constant dense<0.000000e+00> : vector<4096xf32>
    %reduce_sum3A_2 = vector.multi_reduction <add>, %mul3A, %reduce_sum3A [1] : vector<4096x128xf32> to vector<4096xf32>
    %broadcast_in_dim3A = vector.shape_cast %reduce_sum3A_2 : vector<4096xf32> to vector<4096x1xf32>
    %sqrt3A = math.sqrt %broadcast_in_dim3A : vector<4096x1xf32>
    %max3A = arith.constant 9.99999996E-13 : f32
    %max3A_3 = vector.broadcast %max3A : f32 to vector<4096x1xf32>
    %max3A_4 = arith.maximumf %sqrt3A, %max3A_3 : vector<4096x1xf32>
    %mul3A_5 = arith.constant 5.000000e-02 : f32
    %mul3A_6 = vector.broadcast %mul3A_5 : f32 to vector<4096x1xf32>
    %mul3A_7 = arith.mulf %max3A_4, %mul3A_6 : vector<4096x1xf32>
    %div3A = arith.constant 1.44269502 : f32
    %div3A_8 = vector.broadcast %div3A : f32 to vector<4096x1xf32>
    %div3A_9 = arith.divf %div3A_8, %mul3A_7 : vector<4096x1xf32>
    %mul3A_10 = vector.broadcast %div3A_9 : vector<4096x1xf32> to vector<4096x128xf32>
    %mul3A_11 = arith.mulf %get3A_1, %mul3A_10 : vector<4096x128xf32>
    %convert_element_type3A = arith.truncf %mul3A_11 : vector<4096x128xf32> to vector<4096x128xf8E4M3FN>
    %swap3A = arith.constant 0 : index
    %swap3A_12 = arith.constant 0 : index
    %swap3A_13 = vector.load %arg1[%swap3A, %swap3A_12] : memref<4096x128xf8E4M3FN, #tpu.memory_space<vmem>>, vector<4096x128xf8E4M3FN>
    tpu.vector_store %arg1[%swap3A, %swap3A_12], %convert_element_type3A {strides = array<i32>} : memref<4096x128xf8E4M3FN, #tpu.memory_space<vmem>>, vector<4096x128xf8E4M3FN>,
    return
  }
}

module attributes {stable_mosaic.version = 14 : i64} {
  func.func @_sum_kernel(%arg0: i32, %arg1: memref<4096x128xf8E4M3FN, #tpu.memory_space<vmem>>, %arg2: memref<2048x128xf32, #tpu.memory_space<vmem>>, %arg3: memref<4096x128xf32, #tpu.memory_space<vmem>>) attributes {dimension_semantics = [#tpu.dimension_semantics<arbitrary>], iteration_bounds = array<i64: 49>, scalar_prefetch = 0 : i64, scratch_operands = 0 : i64, tpu.core_type = #tpu.core_type<tc>, window_params = [{pipeline_mode = #tpu.pipeline_mode<synchronous>, transform_indices = @transform_0, window_bounds = array<i64: 4096, 128>}, {transform_indices = @transform_1, window_bounds = array<i64: 2048, 128>}, {pipeline_mode = #tpu.pipeline_mode<synchronous>, transform_indices = @transform_2, window_bounds = array<i64: 4096, 128>}]} {
    %eq3A = arith.constant 0 : i32
    %eq3A_0 = arith.cmpi eq, %arg0, %eq3A : i32
    %convert_element_type3A = arith.extui %eq3A_0 : i1 to i32
    %cond3A = arith.constant 0 : i32
    %cond3A_1 = arith.cmpi ne, %convert_element_type3A, %cond3A : i32
    scf.if %cond3A_1 {
      %broadcast_in_dim3A_53 = arith.constant 0.000000e+00 : f32
      %broadcast_in_dim3A_54 = vector.broadcast %broadcast_in_dim3A_53 : f32 to vector<4096x128xf32>
      %swap3A_55 = arith.constant 0 : index
      %swap3A_56 = arith.constant 0 : index
      %swap3A_57 = vector.load %arg3[%swap3A_55, %swap3A_56] : memref<4096x128xf32, #tpu.memory_space<vmem>>, vector<4096x128xf32>
      tpu.vector_store %arg3[%swap3A_55, %swap3A_56], %broadcast_in_dim3A_54 {strides = array<i32>} : memref<4096x128xf32, #tpu.memory_space<vmem>>, vector<4096x128xf32>,
    } else {
    }
    %mul3A = arith.constant 2048 : i32
    %mul3A_2 = arith.muli %arg0, %mul3A : i32
    %iota3A = tpu.iota {dimensions = array<i32: 0>} : vector<2048x1xi32>
    %add3A = vector.broadcast %mul3A_2 : i32 to vector<2048x1xi32>
    %add3A_3 = arith.addi %add3A, %iota3A : vector<2048x1xi32>
    %lt3A = arith.constant 100000 : i32
    %lt3A_4 = vector.broadcast %lt3A : i32 to vector<2048x1xi32>
    %lt3A_5 = arith.cmpi slt, %add3A_3, %lt3A_4 : vector<2048x1xi32>
    %get3A = arith.constant 0 : index
    %get3A_6 = arith.constant 0 : index
    %get3A_7 = vector.load %arg2[%get3A, %get3A_6] : memref<2048x128xf32, #tpu.memory_space<vmem>>, vector<2048x128xf32>
    %jit3A = arith.constant 0.000000e+00 : f32
    %broadcast_in_dim3A = vector.shape_cast %lt3A_5 : vector<2048x1xi1> to vector<2048x1xi1>
    %broadcast_in_dim3A_8 = vector.broadcast %broadcast_in_dim3A : vector<2048x1xi1> to vector<2048x128xi1>
    %broadcast_in_dim3A_9 = vector.broadcast %jit3A : f32 to vector<2048x128xf32>
    %select_n3A = arith.select %broadcast_in_dim3A_8, %get3A_7, %broadcast_in_dim3A_9 : vector<2048x128xi1>, vector<2048x128xf32>
    %convert_element_type3A_10 = arith.truncf %select_n3A : vector<2048x128xf32> to vector<2048x128xf8E4M3FN>
    %get3A_11 = arith.constant 0 : index
    %get3A_12 = arith.constant 0 : index
    %get3A_13 = vector.load %arg1[%get3A_11, %get3A_12] : memref<4096x128xf8E4M3FN, #tpu.memory_space<vmem>>, vector<4096x128xf8E4M3FN>
    %dot_general3A = arith.constant dense<0.000000e+00> : vector<4096x2048xf32>
    %dot_general3A_14 = tpu.matmul %get3A_13, %convert_element_type3A_10, %dot_general3A {dimension_numbers = #tpu.dot_dimension_numbers<[1], [1], [0], [0], [0, 0, 1, 0], [], []>, transpose_lhs_hint = false} : vector<4096x128xf8E4M3FN>, vector<2048x128xf8E4M3FN>, vector<4096x2048xf32> -> vector<4096x2048xf32>
    %convert_element_type3A_15 = arith.truncf %dot_general3A_14 : vector<4096x2048xf32> to vector<4096x2048xbf16>
    %exp23A = math.exp2 %convert_element_type3A_15 : vector<4096x2048xbf16>
    %slice3A = vector.extract_strided_slice %exp23A {offsets = [0, 0], sizes = [4096, 128], strides = [1, 1]} : vector<4096x2048xbf16> to vector<4096x128xbf16>
    %slice3A_16 = vector.extract_strided_slice %exp23A {offsets = [0, 128], sizes = [4096, 128], strides = [1, 1]} : vector<4096x2048xbf16> to vector<4096x128xbf16>
    %slice3A_17 = vector.extract_strided_slice %exp23A {offsets = [0, 256], sizes = [4096, 128], strides = [1, 1]} : vector<4096x2048xbf16> to vector<4096x128xbf16>
    %slice3A_18 = vector.extract_strided_slice %exp23A {offsets = [0, 384], sizes = [4096, 128], strides = [1, 1]} : vector<4096x2048xbf16> to vector<4096x128xbf16>
    %slice3A_19 = vector.extract_strided_slice %exp23A {offsets = [0, 512], sizes = [4096, 128], strides = [1, 1]} : vector<4096x2048xbf16> to vector<4096x128xbf16>
    %slice3A_20 = vector.extract_strided_slice %exp23A {offsets = [0, 640], sizes = [4096, 128], strides = [1, 1]} : vector<4096x2048xbf16> to vector<4096x128xbf16>
    %slice3A_21 = vector.extract_strided_slice %exp23A {offsets = [0, 768], sizes = [4096, 128], strides = [1, 1]} : vector<4096x2048xbf16> to vector<4096x128xbf16>
    %slice3A_22 = vector.extract_strided_slice %exp23A {offsets = [0, 896], sizes = [4096, 128], strides = [1, 1]} : vector<4096x2048xbf16> to vector<4096x128xbf16>
    %slice3A_23 = vector.extract_strided_slice %exp23A {offsets = [0, 1024], sizes = [4096, 128], strides = [1, 1]} : vector<4096x2048xbf16> to vector<4096x128xbf16>
    %slice3A_24 = vector.extract_strided_slice %exp23A {offsets = [0, 1152], sizes = [4096, 128], strides = [1, 1]} : vector<4096x2048xbf16> to vector<4096x128xbf16>
    %slice3A_25 = vector.extract_strided_slice %exp23A {offsets = [0, 1280], sizes = [4096, 128], strides = [1, 1]} : vector<4096x2048xbf16> to vector<4096x128xbf16>
    %slice3A_26 = vector.extract_strided_slice %exp23A {offsets = [0, 1408], sizes = [4096, 128], strides = [1, 1]} : vector<4096x2048xbf16> to vector<4096x128xbf16>
    %slice3A_27 = vector.extract_strided_slice %exp23A {offsets = [0, 1536], sizes = [4096, 128], strides = [1, 1]} : vector<4096x2048xbf16> to vector<4096x128xbf16>
    %slice3A_28 = vector.extract_strided_slice %exp23A {offsets = [0, 1664], sizes = [4096, 128], strides = [1, 1]} : vector<4096x2048xbf16> to vector<4096x128xbf16>
    %slice3A_29 = vector.extract_strided_slice %exp23A {offsets = [0, 1792], sizes = [4096, 128], strides = [1, 1]} : vector<4096x2048xbf16> to vector<4096x128xbf16>
    %slice3A_30 = vector.extract_strided_slice %exp23A {offsets = [0, 1920], sizes = [4096, 128], strides = [1, 1]} : vector<4096x2048xbf16> to vector<4096x128xbf16>
    %add3A_31 = arith.addf %slice3A, %slice3A_16 : vector<4096x128xbf16>
    %add3A_32 = arith.addf %slice3A_17, %slice3A_18 : vector<4096x128xbf16>
    %add3A_33 = arith.addf %slice3A_19, %slice3A_20 : vector<4096x128xbf16>
    %add3A_34 = arith.addf %slice3A_21, %slice3A_22 : vector<4096x128xbf16>
    %add3A_35 = arith.addf %slice3A_23, %slice3A_24 : vector<4096x128xbf16>
    %add3A_36 = arith.addf %slice3A_25, %slice3A_26 : vector<4096x128xbf16>
    %add3A_37 = arith.addf %slice3A_27, %slice3A_28 : vector<4096x128xbf16>
    %add3A_38 = arith.addf %slice3A_29, %slice3A_30 : vector<4096x128xbf16>
    %add3A_39 = arith.addf %add3A_31, %add3A_32 : vector<4096x128xbf16>
    %add3A_40 = arith.addf %add3A_33, %add3A_34 : vector<4096x128xbf16>
    %add3A_41 = arith.addf %add3A_35, %add3A_36 : vector<4096x128xbf16>
    %add3A_42 = arith.addf %add3A_37, %add3A_38 : vector<4096x128xbf16>
    %add3A_43 = arith.addf %add3A_39, %add3A_40 : vector<4096x128xbf16>
    %add3A_44 = arith.addf %add3A_41, %add3A_42 : vector<4096x128xbf16>
    %add3A_45 = arith.addf %add3A_43, %add3A_44 : vector<4096x128xbf16>
    %get3A_46 = arith.constant 0 : index
    %get3A_47 = arith.constant 0 : index
    %get3A_48 = vector.load %arg3[%get3A_46, %get3A_47] : memref<4096x128xf32, #tpu.memory_space<vmem>>, vector<4096x128xf32>
    %convert_element_type3A_49 = arith.extf %add3A_45 : vector<4096x128xbf16> to vector<4096x128xf32>
    %add3A_50 = arith.addf %get3A_48, %convert_element_type3A_49 : vector<4096x128xf32>
    %swap3A = arith.constant 0 : index
    %swap3A_51 = arith.constant 0 : index
    %swap3A_52 = vector.load %arg3[%swap3A, %swap3A_51] : memref<4096x128xf32, #tpu.memory_space<vmem>>, vector<4096x128xf32>
    tpu.vector_store %arg3[%swap3A, %swap3A_51], %add3A_50 {strides = array<i32>} : memref<4096x128xf32, #tpu.memory_space<vmem>>, vector<4096x128xf32>,
    return
  }
  func.func @transform_0(%arg0: i32) -> (i32, i32) {
    %c0_i32 = arith.constant 0 : i32
    %c0_i32_0 = arith.constant 0 : i32
    %c0_i32_1 = arith.constant 0 : i32
    return %c0_i32, %c0_i32_0 : i32, i32
  }
  func.func @transform_1(%arg0: i32) -> (i32, i32) {
    %c0_i32 = arith.constant 0 : i32
    %c0_i32_0 = arith.constant 0 : i32
    return %arg0, %c0_i32 : i32, i32
  }
  func.func @transform_2(%arg0: i32) -> (i32, i32) {
    %c0_i32 = arith.constant 0 : i32
    %c0_i32_0 = arith.constant 0 : i32
    %c0_i32_1 = arith.constant 0 : i32
    return %c0_i32, %c0_i32_0 : i32, i32
  }
}

</mosaic_0001>

<sc_bundles>
// kernel: kernel.6.cloned.1.call-start
scs
__scs_entry_jumppad:
0x0: {  	(pc) =	sbr.rel $0x88, $3  }
0x1: {  	(tag) =	ssettag $0x0;
	lr =	simm.s32 $0x1  }
0x2: {  	[smem:$0x3F9E] =	sst lr;
	_ =	strace $0xD0000000  }
0x3: {  	_ = 	snop  }
0x4: {  	_ = 	snop  }
0x5: {  	_ = 	snop  }
0x6: {  	_ = 	snop  }
0x7: {  	_ = 	snop  }
__scs_overlays_trampoline_lowered:
0x8: {  	[smem:$0x3FAD] =	sst s0  }
0x9: {  	[smem:$0x3FAE] =	sst s1  }
0xa: {  	[smem:$0x3FAF] =	sst s2  }
0xb: {  	[smem:$0x3FB0] =	sst s3  }
0xc: {  	[smem:$0x3FB1] =	sst s4  }
0xd: {  	[smem:$0x3FB2] =	sst s5  }
0xe: {  	[smem:$0x3FB3] =	sst s6  }
0xf: {  	[smem:$0x3FB4] =	sst s7  }
0x10: {  	[smem:$0x3FB5] =	sst s8  }
0x11: {  	[smem:$0x3FB6] =	sst s9;
	s0 =	simm.s32 @!p0 $0x0  }
0x12: {  	s1 =	sld [smem:$0x3F9C];
	s0 =	simm.s32 @p0 $0x1  }
0x13: {  	[smem:$0x3FB7] =	sst s0;
	s0 =	simm.s32 @!p1 $0x0  }
0x14: {  	s2 =	sld [smem:$0x3F9B];
	s0 =	simm.s32 @p1 $0x1  }
0x15: {  	[smem:$0x3FB8] =	sst s0;
	s0 =	simm.s32 @!p2 $0x0  }
0x16: {  	s3 =	sld [smem:$0x3FDB];
	s0 =	simm.s32 @p2 $0x1  }
0x17: {  	s4 =	simm.s32 $0x1BF5;
	[smem:$0x3FBA] =	sst s0  }
0x18: {  	s0 =	sld [smem:$0x3F9D];
	_ =	swait.ge [sflag:s4], $0x0  }
0x19: {  	s7 =	sld [smem:$0x3F9E]  }
0x1a: {  	s8 =	sadd.s32 $0xFFFFE003, lr  }
0x1b: {  	s9 =	sadd.s32 $0xFFFFFEF7, lr;
	s5 =	simm.s32 $0xFFFFFFFF;
	p2 =	slt.u32 s8, $0xFFFFF086  }
0x1c: {  	p1 =	slt.u32 s9, $0xF7A;
	s5 =	simm.s32 @!p2 $0x0  }
0x1d: {  	s5 =	simm.s32 @p1 $0x1;
	p0 =	seq.s32 s7, s2  }
0x1e: {  	s7 =	smul.u32 @!p0 $0xF7A, s2;
	p2 =	seq.s32 @!p0 s5, $0x0  }
0x1f: {  	s9 =	smul.u32 $0xF7A, s1;
	s8 =	simm.s32 @!p0 $0x1BF5;
	p2 =	por !p2, p0  }
0x20: {  	[sflag:s8] =	ssyncset.s32 @!p0 $0xFFFFF086;
	s6 =	sadd.s32 @!p0 s3, s7;
	s7 =	simm.s32 @!p0 $0x108  }
0x21: {  	s3 =	sadd.s32 s3, s9;
	s6 =	sadd.s32 @!p0 $0x88, s6;
	s7 =	simm.s32 @p2 $0x1082  }
0x22: {  	[simem:s7], [sflag:s8] =	dma.local @!p0 [hbm:s6], $0xF7A  }
0x23: {  	s9 =	sor.u32 $0xD0000000, s2;
	s6 =	simm.s32 $0x108;
	_ =	swait.ge @!p0 [sflag:s8], $0x0  }
0x24: {  	s3 =	sadd.s32 $0x88, s3;
	s6 =	simm.s32 @!p1 $0x1082;
	[sflag:s4] =	ssyncset.s32 $0xFFFFF086  }
0x25: {  	[simem:s6], [sflag:s4] =	dma.local [hbm:s3], $0xF7A  }
0x26: {  	[smem:$0x3F9E] =	sst s1;
	(tag) =	ssettag s2;
	_ =	strace s9  }
0x27: {  	s1 =	sld [smem:$0x3FAE]  }
0x28: {  	s2 =	sld [smem:$0x3FAF]  }
0x29: {  	s4 =	sld [smem:$0x3FB1]  }
0x2a: {  	p0 =	seq.s32 s5, $0x0;
	s5 =	sld [smem:$0x3FB2]  }
0x2b: {  	s6 =	sld [smem:$0x3FB3]  }
0x2c: {  	s7 =	sld [smem:$0x3FB4]  }
0x2d: {  	s3 =	simm.s32 $0x108;
	s8 =	sld [smem:$0x3FB5]  }
0x2e: {  	s3 =	simm.s32 @!p0 $0x1082;
	s9 =	sld [smem:$0x3FB6]  }
0x2f: {  	lr =	sadd.s32 s0, s3;
	s0 =	sld [smem:$0x3FAD]  }
0x30: {  	s3 =	sld [smem:$0x3FB0]  }
0x31: {  	[smem:$0x3FB9] =	sst s10  }
0x32: {  	s10 =	sld [smem:$0x3FB7];
	_ =	sdelay $0x3  }
0x33: {  	p0 =	seq.s32 s10, $0x1;
	s10 =	sld [smem:$0x3FB9];
	_ =	sdelay $0x3  }
0x34: {  	[smem:$0x3FB9] =	sst s10  }
0x35: {  	s10 =	sld [smem:$0x3FB8];
	_ =	sdelay $0x3  }
0x36: {  	p1 =	seq.s32 s10, $0x1;
	s10 =	sld [smem:$0x3FB9];
	_ =	sdelay $0x3  }
0x37: {  	[smem:$0x3FB9] =	sst s10  }
0x38: {  	s10 =	sld [smem:$0x3FBA]  }
0x39: {  	_ = 	snop;
	(pc) =	sbr.ind lr, $3  }
0x3a: {  	_ = 	snop  }
0x3b: {  	_ = 	snop  }
0x3c: {  	p2 =	seq.s32 s10, $0x1;
	s10 =	sld [smem:$0x3FB9]  }
0x3d: {  	_ =	shalt  }
0x3e: {  	_ =	shalt  }
0x3f: {  	_ =	shalt  }
0x40: {  	_ =	shalt  }
0x41: {  	_ =	shalt  }
0x42: {  	_ =	shalt  }
0x43: {  	_ =	shalt  }
0x44: {  	_ =	shalt  }
0x45: {  	_ =	shalt  }
0x46: {  	_ =	shalt  }
0x47: {  	_ =	shalt  }
0x48: {  	_ =	shalt  }
0x49: {  	_ =	shalt  }
0x4a: {  	_ =	shalt  }
0x4b: {  	_ =	shalt  }
0x4c: {  	_ =	shalt  }
0x4d: {  	_ =	shalt  }
0x4e: {  	_ =	shalt  }
0x4f: {  	_ =	shalt  }
0x50: {  	_ =	shalt  }
0x51: {  	_ =	shalt  }
0x52: {  	_ =	shalt  }
0x53: {  	_ =	shalt  }
0x54: {  	_ =	shalt  }
0x55: {  	_ =	shalt  }
0x56: {  	_ =	shalt  }
0x57: {  	_ =	shalt  }
0x58: {  	_ =	shalt  }
0x59: {  	_ =	shalt  }
0x5a: {  	_ =	shalt  }
0x5b: {  	_ =	shalt  }
0x5c: {  	_ =	shalt  }
0x5d: {  	_ =	shalt  }
0x5e: {  	_ =	shalt  }
0x5f: {  	_ =	shalt  }
0x60: {  	_ =	shalt  }
0x61: {  	_ =	shalt  }
0x62: {  	_ =	shalt  }
0x63: {  	_ =	shalt  }
0x64: {  	_ =	shalt  }
0x65: {  	_ =	shalt  }
0x66: {  	_ =	shalt  }
0x67: {  	_ =	shalt  }
0x68: {  	_ =	shalt  }
0x69: {  	_ =	shalt  }
0x6a: {  	_ =	shalt  }
0x6b: {  	_ =	shalt  }
0x6c: {  	_ =	shalt  }
0x6d: {  	_ =	shalt  }
0x6e: {  	_ =	shalt  }
0x6f: {  	_ =	shalt  }
0x70: {  	_ =	shalt  }
0x71: {  	_ =	shalt  }
0x72: {  	_ =	shalt  }
0x73: {  	_ =	shalt  }
0x74: {  	_ =	shalt  }
0x75: {  	_ =	shalt  }
0x76: {  	_ =	shalt  }
0x77: {  	_ =	shalt  }
0x78: {  	_ =	shalt  }
0x79: {  	_ =	shalt  }
0x7a: {  	_ =	shalt  }
0x7b: {  	_ =	shalt  }
0x7c: {  	_ =	shalt  }
0x7d: {  	_ =	shalt  }
0x7e: {  	_ =	shalt  }
0x7f: {  	_ =	shalt  }
0x80: {  	_ =	shalt  }
0x81: {  	_ =	shalt  }
0x82: {  	_ =	shalt  }
0x83: {  	_ =	shalt  }
0x84: {  	_ =	shalt  }
0x85: {  	_ =	shalt  }
0x86: {  	_ =	shalt  }
0x87: {  	_ =	shalt  }
.Lfunc_end0:
.L_simem_size_0:
called_computation_lowered:
.L_overlay_start_0:
0x88: {  	s2 =	sld [smem:$0x3FD9]  }
0x89: {  	s3 =	sld [smem:$0x3FFE];
	_ =	sdelay $0x1  }
0x8a: {  	s1 =	srdreg.scid  }
0x8b: {  	s0 =	sand.u32 $0x1, s1  }
0x8c: {  	s17 =	sshll.u32 s0, $0xA;
	s2 =	sadd.s32 s3, s2  }
0x8d: {  	s2 =	sadd.s32 s2, s17  }
0x8e: {  	[smem:$0x3FC5] =	sst s2  }
0x8f: {  	_ = 	snop  }
0x90: {  	s2 =	sld [smem:$0x3FC8]  }
0x91: {  	s18 =	sld [smem:$0x3FC7];
	(tm) =	ssettm $0x1  }
0x92: {  	s4 =	sld [smem:$0x3FFB];
	_ =	sdelay $0x3  }
0x93: {  	_ =	strace s4  }
0x94: {  	s4 =	sld [smem:$0x3FFC];
	_ =	sdelay $0x3  }
0x95: {  	_ =	strace s4  }
0x96: {  	s4 =	sld [smem:$0x3FFD];
	_ =	sdelay $0x3  }
0x97: {  	_ =	strace s4  }
0x98: {  	_ =	strace $0x8FFFFFFF  }
0x99: {  	s19 =	sld [smem:$0x3FDB];
	_ =	sdelay $0x1  }
0x9a: {  	s5 =	simm.s32 $_scs_section_size  }
0x9b: {  	s6 =	simm.s32 $_size__tile_overlayer_lowered;
	s7 =	simm.s32 $_tile_overlayer_lowered  }
0x9c: {  	s22 =	simm.s32 $0x1BFF;
	s21 =	sshll.u32 s7, $0x1;
	s4 =	sadd.s32 s5, s19  }
0x9d: {  	s8 =	simm.s32 $0x0;
	s20 =	sshll.u32 s6, $0x1;
	s6 =	sadd.s32 s21, s4  }
0x9e: {  	[timem:s8], [sflag:s22] =	dma.local [hbm:s6], s20  }
0x9f: {  	_ =	swait.ge [sflag:s22], s20  }
0xa0: {  	s5 =	ssub.s32 $0x0, s20;
	[sflag:s22] =	ssyncset.done $0x0  }
0xa1: {  	[sflag:s22] =	ssyncadd.s32 s5;
	_ =	sdelay $0x1  }
0xa2: {  	s23 =	simm.s32 $0x1B8B  }
0xa3: {  	_ =	swait.ge [sflag:s23], $0x1  }
0xa4: {  	[sflag:s23] =	ssyncset.done $0x0  }
0xa5: {  	s25 =	simm.s32 $0x1B8E;
	s24 =	sld [smem:$0x3FFE];
	[sflag:s23] =	ssyncadd.s32 $0xFFFFFFFF  }
0xa6: {  	s26 =	simm.s32 $execute0_lowered;
	[smem:$0x3FD2] =	sst s25  }
0xa7: {  	s6 =	sshll.u32 s26, $0x1;
	_ =	strace $0x80000046;
	[dreg:$0x1] =	wrdreg $0xFFFFFFFF  }
0xa8: {  	s28 =	simm.s32 $_size_execute0_lowered;
	s4 =	sadd.s32 s4, s6;
	[dreg:$0x0] =	wrdreg $0x0  }
0xa9: {  	s6 =	sshll.u32 s28, $0x1;
	[dreg:$0x2] =	wrdreg s4  }
0xaa: {  	[dreg:$0x3] =	wrdreg s6  }
0xab: {  	[dreg:$0x4] =	wrdreg $0xC0  }
0xac: {  	_ =	task [dreg:s8], $0x5FFFF  }
0xad: {  	[dreg:$0x1] =	wrdreg $0xFFFFFFFF  }
0xae: {  	[dreg:$0x0] =	wrdreg $0x60  }
0xaf: {  	[dreg:$0x2] =	wrdreg s18  }
0xb0: {  	[dreg:$0x3] =	wrdreg s2  }
0xb1: {  	[dreg:$0x4] =	wrdreg s24  }
0xb2: {  	[dreg:$0x5] =	wrdreg $0x9  }
0xb3: {  	_ =	task.clear_ibuf [dreg:s8], $0x6FFFF;
	_ =	strace $0x90000046  }
0xb4: {  	s29 =	simm.s32 $0x9;
	_ =	strace $0x80000048  }
0xb5: {  	_ =	swait.ge [sflag:s29], $0x1  }
0xb6: {  	[sflag:s29] =	ssyncadd.s32 $0xFFFFFFFF  }
0xb7: {  	_ =	strace $0x90000048  }
0xb8: {  	_ =	sfence  }
0xb9: {  	s30 =	sld [smem:$0x0];
	_ =	sdelay $0x2  }
0xba: {  	s31 =	sshll.u32 s1, $0xD;
	s1 =	sshrl.u32 s1, $0x2  }
0xbb: {  	s3 =	sand.u32 $0x4000, s31;
	s1 =	sadd.s32 s1, s30  }
0xbc: {  	s0 =	sor.u32 s3, s0;
	s1 =	sshll.u32 s1, $0x11  }
0xbd: {  	s0 =	sor.u32 s1, s0  }
0xbe: {  	s0 =	sadd.s32 $0x8F2B, s0  }
0xbf: {  	[sflag:s0] =	ssyncadd.remote.s32 $0x1  }
0xc0: {  	_ =	sfence.sel $0xFFFF  }
0xc1: {  	[dreg:$0x0] =	wrdreg $0xFFFFFFFF;
	(pc) =	sbr.abs _section_cstart, $3  }
0xc2: {  	[dreg:$0x1] =	wrdreg $0xFFFFFFFF  }
0xc3: {  	_ =	task.clear_ibuf [dreg:s8], $0x2FFFF;
	_ =	strace $0x9FFFFFFF  }
0xc4: {  	(tm) =	ssettm $0x7FFFFFFF  }
0xc5: {  	_ =	shalt  }
tec
execute0_lowered:
.L_overlay_start_1:
0x0: {  	(tag) =	ssettag $0x1  }
0x1: {  	s1 =	rddreg [dreg:$0x0];
	s2 =	srdreg.scid  }
0x2: {  	s4 =	rddreg [dreg:$0x1];
	s0 =	stileid.u32  }
0x3: {  	s8 =	rddreg [dreg:$0x2];
	s3 =	simm.s32 $0x0;
	s6 =	sand.u32 $0x1, s2  }
0x4: {  	s5 =	sshll.u32 s0, $0x8;
	s2 =	rddreg [dreg:$0x3];
	s7 =	sshll.u32 s6, $0x7  }
0x5: {  	[smem:$0x7FF] =	sst s3;
	s9 =	sor.u32 s7, s5  }
0x6: {  	_ =	strace $0x80000047;
	s10 =	ssub.s32 $0x2, s6;
	s5 =	sshrl.u32 s9, $0x3  }
0x7: {  	s6 =	simm.s32 $0x80;
	s5 =	sadd.s32 s4, s5;
	s4 =	simm.s32 $0x2  }
0x8: {  	[tilespmem:s3], [sflag:$0x2] =	stream.linear.gather [hbm4b:s5+s3], $0x80, $0x38;
	[tilespmem:$0x4080] =	vst v63  }
0x9: {  	s7 =	simm.s32 $0x1;
	s11 =	sshrl.u32 s10, $0x1;
	_ =	swait.ge [sflag:s4], $0x80  }
0xa: {  	s9 =	sshll.u32 s9, $0x4;
	s31 =	ssub.s32 s10, s11;
	[sflag:s4] =	ssyncset.done $0x0  }
0xb: {  	s8 =	sadd.s32 s9, s8;
	s9 =	smax.u32 s31, $0x1;
	[sflag:s4] =	ssyncadd.s32 $0xFFFFFF80  }
0xc: {  	[tilespmem:s6], [sflag:$0x1] =	stream.indirect.gather [hbm4b:s1+s6], $0x80, s3, s6, $0xb8;
	[tilespmem:$0x4080] =	vst v63  }
0xd: {  	p0 =	sne.s32 s9, $0x1;
	_ =	swait.ge [sflag:s7], $0x4000  }
.Ltmp0:
0xe: {  	[sflag:s7] =	ssyncset.done $0x0;
	(pc) =	sbr.rel @!p0 .LBB2_2-.Ltmp0, $4  }
0xf: {  	s8 =	sadd.s32 $0x800, s8;
	[sflag:s7] =	ssyncadd.s32 $0xFFFFC000  }
0x10: {  	[hbm4b:s8+s3] =	stream.linear.scatter [tilespmem:s6], [sflag:$0x2], $0x4000, $0x38;
	[tilespmem:$0x4080] =	vst v63  }
0x11: {  	_ =	swait.ge [sflag:s4], $0x4000  }
0x12: {  	s9 =	sadd.s32 $0xFFFFFFFF, s9;
	[sflag:s4] =	ssyncset.done $0x0  }
.LBB2_1:
0x13: {  	p0 =	sne.s32 s9, $0x1;
	s9 =	sadd.s32 $0xFFFFFFFF, s9;
	[sflag:s4] =	ssyncadd.s32 $0xFFFFC000  }
0x14: {  	[tilespmem:s3], [sflag:$0x2] =	stream.linear.gather [hbm4b:s5+s3], $0x80, $0x38;
	[tilespmem:$0x4080] =	vst v63  }
0x15: {  	_ =	swait.ge [sflag:s4], $0x80  }
0x16: {  	[sflag:s4] =	ssyncset.done $0x0  }
0x17: {  	[sflag:s4] =	ssyncadd.s32 $0xFFFFFF80  }
0x18: {  	[tilespmem:s6], [sflag:$0x1] =	stream.indirect.gather [hbm4b:s1+s6], $0x80, s3, s6, $0xb8;
	[tilespmem:$0x4080] =	vst v63  }
0x19: {  	_ =	swait.ge [sflag:s7], $0x4000  }
.Ltmp1:
0x1a: {  	[sflag:s7] =	ssyncset.done $0x0;
	(pc) =	sbr.rel @p0 .LBB2_1-.Ltmp1, $4  }
0x1b: {  	[sflag:s7] =	ssyncadd.s32 $0xFFFFC000  }
0x1c: {  	[hbm4b:s8+s3] =	stream.linear.scatter [tilespmem:s6], [sflag:$0x2], $0x4000, $0x38;
	[tilespmem:$0x4080] =	vst v63  }
0x1d: {  	_ =	swait.ge [sflag:s4], $0x4000  }
0x1e: {  	[sflag:s4] =	ssyncset.done $0x0  }
.LBB2_2:
0x1f: {  	[sflag:s4] =	ssyncadd.s32 $0xFFFFC000  }
0x20: {  	_ =	sfence.sel $0x180000  }
0x21: {  	[bflag:$0x0] =	sbarrier.arrive $0xFFFF  }
0x22: {  	p0 =	sne.s32 s0, $0x0;
	_ =	strace $0x90000047  }
0x23: {  	s0 =	sadd.s32 @!p0 $0x100000, s2;
	[bflag:$0x2] =	sbarrier.arrive $0xFFFF  }
0x24: {  	[sflag:s0] =	ssyncadd.tile.s32 @!p0 $0x1;
	_ =	shalt  }
.Lfunc_end2:
_tile_overlayer_lowered:
.L_overlay_start_2:
0x25: {  	(tag) =	ssettag $0x2  }
0x26: {  	s0 =	rddreg [dreg:$0x0];
	s2 =	stileid.u32  }
0x27: {  	s1 =	rddreg [dreg:$0x1];
	p0 =	sne.s32 s2, $0x0  }
0x28: {  	s3 =	rddreg [dreg:$0x2];
	[bflag:$0x3] =	sbarrier.arrive $0xFFFF;
	s2 =	simm.s32 @!p0 $0x1C02  }
0x29: {  	[timem:s3], [sflag:s2] =	dma.local @!p0 [hbm:s0], s1  }
0x2a: {  	s0 =	simm.s32 @!p0 $0x2  }
0x2b: {  	_ =	swait.ge @!p0 [sflag:s0], s1  }
0x2c: {  	s1 =	ssub.s32 @!p0 $0x0, s1;
	[sflag:s0] =	ssyncset.done @!p0 $0x0  }
0x2d: {  	[sflag:s0] =	ssyncadd.s32 @!p0 s1  }
0x2e: {  	[bflag:$0x3] =	sbarrier.arrive $0xFFFF  }
0x2f: {  	_ =	shalt  }

</sc_bundles>
